<compile_context>
chip_gen: v7x
topology: tpu7x:2x2x1
jax: 0.10.2.dev20260603
libtpu: 0.0.44.dev20260713+nightly
codegen_flags: <defaults>
</compile_context>

<pallas_src>
import jax
import jax.numpy as jnp
from jax import lax
from jax.experimental import pallas as pl
from jax.experimental.pallas import tpu as pltpu
from jax.experimental.pallas import tpu_sc as plsc

NUM_EMB = 8192
DIM = 128
B = 64
HW = 1024
N = B * HW

NC = 2
NS = 16
NW = NC * NS

PER_TILE = N // NW
CHUNK = 128
NCHUNK = PER_TILE // CHUNK
NBUF = 3


def _body(q_hbm, w_hbm, out_hbm, idxbuf, rows, shared_w, gsems, ssems):
    c = lax.axis_index("c")
    s = lax.axis_index("s")
    wid = s * NC + c
    base = wid * PER_TILE

    ROWS_STAGE = NUM_EMB // NS
    NSTAGE = ROWS_STAGE // CHUNK

    sl = pl.ds(s * ROWS_STAGE, ROWS_STAGE)
    pltpu.async_copy(w_hbm.at[sl, :], shared_w.at[sl, :], ssems.at[0])

    pltpu.sync_copy(q_hbm.at[pl.ds(base, PER_TILE)], idxbuf)

    def start_gather(ch, p):
        idx = idxbuf.at[pl.ds(ch * CHUNK, CHUNK)]
        pltpu.async_copy(shared_w.at[idx], rows.at[p], gsems.at[p])

    def start_gather_hbm(ch, p):
        idx = idxbuf.at[pl.ds(ch * CHUNK, CHUNK)]
        pltpu.async_copy(w_hbm.at[idx], rows.at[p], gsems.at[p])

    def wait_gather(ch, p):
        idx = idxbuf.at[pl.ds(ch * CHUNK, CHUNK)]
        pltpu.make_async_copy(shared_w.at[idx], rows.at[p], gsems.at[p]).wait()

    def out_slice(ch):
        return out_hbm.at[pl.ds(base + ch * CHUNK, CHUNK), :]

    def start_store(ch, p):
        pltpu.async_copy(rows.at[p], out_slice(ch), ssems.at[p])

    def wait_store(ch, p):
        pltpu.make_async_copy(rows.at[p], out_slice(ch), ssems.at[p]).wait()

    DELAY = 2
    for ch in range(min(NBUF, NCHUNK)):
        start_gather_hbm(ch, ch % NBUF)
    pltpu.make_async_copy(w_hbm.at[sl, :], shared_w.at[sl, :], ssems.at[0]).wait()
    plsc.subcore_barrier()

    def chunk_body(ch, carry):
        p = lax.rem(ch, NBUF)
        wait_gather(ch, p)
        start_store(ch, p)
        d = ch - DELAY

        @pl.when(d >= 0)
        def _():
            dp = lax.rem(d, NBUF)
            wait_store(d, dp)
            start_gather(d + NBUF, dp)

        return carry

    lax.fori_loop(0, NCHUNK - NBUF + DELAY, chunk_body, 0)
    for ch in range(NCHUNK - NBUF + DELAY, NCHUNK):
        p = ch % NBUF
        wait_gather(ch, p)
        start_store(ch, p)
    for ch in range(NCHUNK - NBUF, NCHUNK):
        wait_store(ch, ch % NBUF)


@jax.jit
def _lookup(q_flat, w):
    mesh = plsc.VectorSubcoreMesh(core_axis_name="c", subcore_axis_name="s")
    f = pl.kernel(
        _body,
        out_type=jax.ShapeDtypeStruct((N, DIM), jnp.float32),
        mesh=mesh,
        scratch_types=[
            pltpu.VMEM((PER_TILE,), jnp.int32),
            pltpu.VMEM((NBUF, CHUNK, DIM), jnp.float32),
            pltpu.VMEM_SHARED((NUM_EMB, DIM), jnp.float32),
            pltpu.SemaphoreType.DMA((NBUF,)),
            pltpu.SemaphoreType.DMA((NBUF,)),
        ],
        compiler_params=pltpu.CompilerParams(
            use_tc_tiling_on_sc=False, needs_layout_passes=False
        ),
    )
    return f(q_flat, w)


def kernel(quantized, embedding_weight):
    q_flat = quantized.reshape(N)
    rows = _lookup(q_flat, embedding_weight)
    emb = rows.reshape(B, 32, 32, DIM).transpose(0, 3, 1, 2)
    return (quantized, emb)

# --- scband reference (transcript-rebuilt; emitter-appended) ---
"""Pipeline reference for scband-vqvaequantizer-51384988729510 (READ-ONLY COPY).

The authoritative reference and input builder live on the scoring server;
editing this copy changes nothing except your own understanding.
"""

import jax, jax.numpy as jnp
import numpy as np

NUM_EMBEDDINGS = 8192
EMBEDDING_DIM = 128


def setup_inputs(seed: int = 0) -> dict:
    key = jax.random.key(seed)
    k1, k2 = jax.random.split(key)
    quantized = jax.random.randint(k1, (64, 32, 32), 0, NUM_EMBEDDINGS, dtype=jnp.int32)
    embedding_weight = jax.random.normal(k2, (NUM_EMBEDDINGS, EMBEDDING_DIM), dtype=jnp.float32)
    return {"quantized": quantized, "embedding_weight": embedding_weight}


def reference(quantized, embedding_weight):
    # Eval/inference path of VQVAEQuantizer.forward with `quantized` provided:
    #   return (quantized, self.embeddings(quantized).permute(0, 3, 1, 2))
    emb = jnp.take(embedding_weight, quantized, axis=0)  # [B, H, W, D]
    emb = jnp.transpose(emb, (0, 3, 1, 2))               # [B, D, H, W]
    return (quantized, emb)

if __name__ == "__main__":
    import jax
    _d = setup_inputs()
    print(jax.jit(kernel)(*tuple(_d.values())))

</pallas_src>

<mosaic_0001>
#map = affine_map<(d0, d1) -> (0)>
#map1 = affine_map<(d0, d1) -> (0, 0)>
module attributes {stable_mosaic.version = 14 : i64} {
  func.func @_body(%arg0: i32, %arg1: i32, %arg2: memref<65536xi32, #tpu.memory_space<hbm>>, %arg3: memref<8192x128xf32, #tpu.memory_space<hbm>>, %arg4: memref<65536x128xf32, #tpu.memory_space<hbm>>, %arg5: memref<2048xi32, #tpu.memory_space<vmem>>, %arg6: memref<3x128x128xf32, #tpu.memory_space<vmem>>, %arg7: memref<8192x128xf32, #tpu.memory_space<vmem_shared>>, %arg8: memref<3x!tpu.dma_semaphore, #tpu.memory_space<semaphore_mem>>, %arg9: memref<3x!tpu.dma_semaphore, #tpu.memory_space<semaphore_mem>>) attributes {dimension_semantics = [#tpu.dimension_semantics<core_parallel>, #tpu.dimension_semantics<subcore_parallel>], iteration_bounds = array<i64: 2, 16>, scalar_prefetch = 0 : i64, scratch_operands = 5 : i64, tpu.core_type = #tpu.core_type<sc_vector_subcore>, window_params = [{transform_indices = #map}, {transform_indices = #map1}, {transform_indices = #map1}]} {
    %mul3A = arith.constant 2 : i32
    %mul3A_0 = arith.muli %arg1, %mul3A : i32
    %add3A = arith.addi %mul3A_0, %arg0 : i32
    %mul3A_1 = arith.constant 2048 : i32
    %mul3A_2 = arith.muli %add3A, %mul3A_1 : i32
    %mul3A_3 = arith.constant 512 : i32
    %mul3A_4 = arith.muli %arg1, %mul3A_3 : i32
    %dma_start3A = arith.constant 0 : i32
    %dma_start3A_5 = tpu.memref_slice %arg9[%dma_start3A] : memref<3x!tpu.dma_semaphore, #tpu.memory_space<semaphore_mem>> -> memref<1x!tpu.dma_semaphore, #tpu.memory_space<semaphore_mem>>
    %dma_start3A_6 = tpu.memref_squeeze %dma_start3A_5 : memref<1x!tpu.dma_semaphore, #tpu.memory_space<semaphore_mem>> -> memref<!tpu.dma_semaphore, #tpu.memory_space<semaphore_mem>>
    %dma_start3A_7 = arith.constant 0 : i32
    %dma_start3A_8 = tpu.memref_slice %arg7[%mul3A_4, %dma_start3A_7] : memref<8192x128xf32, #tpu.memory_space<vmem_shared>> -> memref<512x128xf32, #tpu.memory_space<vmem_shared>>
    %dma_start3A_9 = arith.constant 0 : i32
    %dma_start3A_10 = tpu.memref_slice %arg3[%mul3A_4, %dma_start3A_9] : memref<8192x128xf32, #tpu.memory_space<hbm>> -> memref<512x128xf32, #tpu.memory_space<hbm>>
    tpu.enqueue_dma source(%dma_start3A_10 : memref<512x128xf32, #tpu.memory_space<hbm>>) target(%dma_start3A_8 : memref<512x128xf32, #tpu.memory_space<vmem_shared>>) target_semaphore(%dma_start3A_6 : memref<!tpu.dma_semaphore, #tpu.memory_space<semaphore_mem>>)
    "tpu.region"() ({
      %run_scoped3A = tpu.sem_alloc : memref<!tpu.dma_semaphore, #tpu.memory_space<semaphore_mem>>
      %dma_start3A_146 = tpu.memref_slice %arg2[%mul3A_2] : memref<65536xi32, #tpu.memory_space<hbm>> -> memref<2048xi32, #tpu.memory_space<hbm>>
      %dma_start3A_147 = tpu.memref_slice %arg2[%mul3A_2] : memref<65536xi32, #tpu.memory_space<hbm>> -> memref<2048xi32, #tpu.memory_space<hbm>>
      tpu.enqueue_dma source(%dma_start3A_147 : memref<2048xi32, #tpu.memory_space<hbm>>) target(%arg5 : memref<2048xi32, #tpu.memory_space<vmem>>) target_semaphore(%run_scoped3A : memref<!tpu.dma_semaphore, #tpu.memory_space<semaphore_mem>>)
      %dma_wait3A_148 = tpu.memref_slice %arg2[%mul3A_2] : memref<65536xi32, #tpu.memory_space<hbm>> -> memref<2048xi32, #tpu.memory_space<hbm>>
      %dma_wait3A_149 = tpu.memref_slice %arg2[%mul3A_2] : memref<65536xi32, #tpu.memory_space<hbm>> -> memref<2048xi32, #tpu.memory_space<hbm>>
      tpu.wait_dma2 semaphore(%run_scoped3A : memref<!tpu.dma_semaphore, #tpu.memory_space<semaphore_mem>>) src(%dma_wait3A_149 : memref<2048xi32, #tpu.memory_space<hbm>>) dst(%arg5 : memref<2048xi32, #tpu.memory_space<vmem>>)
      tpu.yield
    }) : () -> ()
    %dma_start3A_11 = arith.constant 0 : i32
    %dma_start3A_12 = arith.constant 0 : i32
    %dma_start3A_13 = arith.constant 0 : i32
    %dma_start3A_14 = arith.constant 0 : i32
    %dma_start3A_15 = tpu.memref_slice %arg6[%dma_start3A_11, %dma_start3A_13, %dma_start3A_14] : memref<3x128x128xf32, #tpu.memory_space<vmem>> -> memref<1x128x128xf32, #tpu.memory_space<vmem>>
    %dma_start3A_16 = tpu.memref_squeeze %dma_start3A_15 : memref<1x128x128xf32, #tpu.memory_space<vmem>> -> memref<128x128xf32, #tpu.memory_space<vmem>>
    %dma_start3A_17 = arith.constant 0 : i32
    %dma_start3A_18 = tpu.memref_slice %arg5[%dma_start3A_17] : memref<2048xi32, #tpu.memory_space<vmem>> -> memref<128xi32, #tpu.memory_space<vmem>>
    %dma_start3A_19 = arith.constant 0 : i32
    %dma_start3A_20 = arith.constant 0 : i32
    %dma_start3A_21 = tpu.memref_slice %arg3[%dma_start3A_19, %dma_start3A_20] : memref<8192x128xf32, #tpu.memory_space<hbm>> -> memref<8192x128xf32, #tpu.memory_space<hbm>>
    %dma_start3A_22 = tpu.memref_slice %arg8[%dma_start3A_12] : memref<3x!tpu.dma_semaphore, #tpu.memory_space<semaphore_mem>> -> memref<1x!tpu.dma_semaphore, #tpu.memory_space<semaphore_mem>>
    %dma_start3A_23 = tpu.memref_squeeze %dma_start3A_22 : memref<1x!tpu.dma_semaphore, #tpu.memory_space<semaphore_mem>> -> memref<!tpu.dma_semaphore, #tpu.memory_space<semaphore_mem>>
    tpu.enqueue_indirect_dma source(%dma_start3A_21 : memref<8192x128xf32, #tpu.memory_space<hbm>>) target(%dma_start3A_16 : memref<128x128xf32, #tpu.memory_space<vmem>>) offsets(%dma_start3A_18 : memref<128xi32, #tpu.memory_space<vmem>>) semaphore(%dma_start3A_23 : memref<!tpu.dma_semaphore, #tpu.memory_space<semaphore_mem>>)
    %dma_start3A_24 = arith.constant 1 : i32
    %dma_start3A_25 = arith.constant 1 : i32
    %dma_start3A_26 = arith.constant 0 : i32
    %dma_start3A_27 = arith.constant 0 : i32
    %dma_start3A_28 = tpu.memref_slice %arg6[%dma_start3A_24, %dma_start3A_26, %dma_start3A_27] : memref<3x128x128xf32, #tpu.memory_space<vmem>> -> memref<1x128x128xf32, #tpu.memory_space<vmem>>
    %dma_start3A_29 = tpu.memref_squeeze %dma_start3A_28 : memref<1x128x128xf32, #tpu.memory_space<vmem>> -> memref<128x128xf32, #tpu.memory_space<vmem>>
    %dma_start3A_30 = arith.constant 128 : i32
    %dma_start3A_31 = tpu.memref_slice %arg5[%dma_start3A_30] : memref<2048xi32, #tpu.memory_space<vmem>> -> memref<128xi32, #tpu.memory_space<vmem>>
    %dma_start3A_32 = arith.constant 0 : i32
    %dma_start3A_33 = arith.constant 0 : i32
    %dma_start3A_34 = tpu.memref_slice %arg3[%dma_start3A_32, %dma_start3A_33] : memref<8192x128xf32, #tpu.memory_space<hbm>> -> memref<8192x128xf32, #tpu.memory_space<hbm>>
    %dma_start3A_35 = tpu.memref_slice %arg8[%dma_start3A_25] : memref<3x!tpu.dma_semaphore, #tpu.memory_space<semaphore_mem>> -> memref<1x!tpu.dma_semaphore, #tpu.memory_space<semaphore_mem>>
    %dma_start3A_36 = tpu.memref_squeeze %dma_start3A_35 : memref<1x!tpu.dma_semaphore, #tpu.memory_space<semaphore_mem>> -> memref<!tpu.dma_semaphore, #tpu.memory_space<semaphore_mem>>
    tpu.enqueue_indirect_dma source(%dma_start3A_34 : memref<8192x128xf32, #tpu.memory_space<hbm>>) target(%dma_start3A_29 : memref<128x128xf32, #tpu.memory_space<vmem>>) offsets(%dma_start3A_31 : memref<128xi32, #tpu.memory_space<vmem>>) semaphore(%dma_start3A_36 : memref<!tpu.dma_semaphore, #tpu.memory_space<semaphore_mem>>)
    %dma_start3A_37 = arith.constant 2 : i32
    %dma_start3A_38 = arith.constant 2 : i32
    %dma_start3A_39 = arith.constant 0 : i32
    %dma_start3A_40 = arith.constant 0 : i32
    %dma_start3A_41 = tpu.memref_slice %arg6[%dma_start3A_37, %dma_start3A_39, %dma_start3A_40] : memref<3x128x128xf32, #tpu.memory_space<vmem>> -> memref<1x128x128xf32, #tpu.memory_space<vmem>>
    %dma_start3A_42 = tpu.memref_squeeze %dma_start3A_41 : memref<1x128x128xf32, #tpu.memory_space<vmem>> -> memref<128x128xf32, #tpu.memory_space<vmem>>
    %dma_start3A_43 = arith.constant 256 : i32
    %dma_start3A_44 = tpu.memref_slice %arg5[%dma_start3A_43] : memref<2048xi32, #tpu.memory_space<vmem>> -> memref<128xi32, #tpu.memory_space<vmem>>
    %dma_start3A_45 = arith.constant 0 : i32
    %dma_start3A_46 = arith.constant 0 : i32
    %dma_start3A_47 = tpu.memref_slice %arg3[%dma_start3A_45, %dma_start3A_46] : memref<8192x128xf32, #tpu.memory_space<hbm>> -> memref<8192x128xf32, #tpu.memory_space<hbm>>
    %dma_start3A_48 = tpu.memref_slice %arg8[%dma_start3A_38] : memref<3x!tpu.dma_semaphore, #tpu.memory_space<semaphore_mem>> -> memref<1x!tpu.dma_semaphore, #tpu.memory_space<semaphore_mem>>
    %dma_start3A_49 = tpu.memref_squeeze %dma_start3A_48 : memref<1x!tpu.dma_semaphore, #tpu.memory_space<semaphore_mem>> -> memref<!tpu.dma_semaphore, #tpu.memory_space<semaphore_mem>>
    tpu.enqueue_indirect_dma source(%dma_start3A_47 : memref<8192x128xf32, #tpu.memory_space<hbm>>) target(%dma_start3A_42 : memref<128x128xf32, #tpu.memory_space<vmem>>) offsets(%dma_start3A_44 : memref<128xi32, #tpu.memory_space<vmem>>) semaphore(%dma_start3A_49 : memref<!tpu.dma_semaphore, #tpu.memory_space<semaphore_mem>>)
    %dma_wait3A = arith.constant 0 : i32
    %dma_wait3A_50 = tpu.memref_slice %arg9[%dma_wait3A] : memref<3x!tpu.dma_semaphore, #tpu.memory_space<semaphore_mem>> -> memref<1x!tpu.dma_semaphore, #tpu.memory_space<semaphore_mem>>
    %dma_wait3A_51 = tpu.memref_squeeze %dma_wait3A_50 : memref<1x!tpu.dma_semaphore, #tpu.memory_space<semaphore_mem>> -> memref<!tpu.dma_semaphore, #tpu.memory_space<semaphore_mem>>
    %dma_wait3A_52 = arith.constant 0 : i32
    %dma_wait3A_53 = tpu.memref_slice %arg7[%mul3A_4, %dma_wait3A_52] : memref<8192x128xf32, #tpu.memory_space<vmem_shared>> -> memref<512x128xf32, #tpu.memory_space<vmem_shared>>
    %dma_wait3A_54 = arith.constant 0 : i32
    %dma_wait3A_55 = tpu.memref_slice %arg3[%mul3A_4, %dma_wait3A_54] : memref<8192x128xf32, #tpu.memory_space<hbm>> -> memref<512x128xf32, #tpu.memory_space<hbm>>
    tpu.wait_dma2 semaphore(%dma_wait3A_51 : memref<!tpu.dma_semaphore, #tpu.memory_space<semaphore_mem>>) src(%dma_wait3A_55 : memref<512x128xf32, #tpu.memory_space<hbm>>) dst(%dma_wait3A_53 : memref<512x128xf32, #tpu.memory_space<vmem_shared>>)
    %barrier3A = arith.constant 0 : index
    tpu.barrier barrier_id(%barrier3A)
    %scan3A = arith.constant 0 : i32
    %scan3A_56 = arith.constant 0 : i32
    %scan3A_57 = arith.constant 15 : i32
    %scan3A_58 = arith.addi %scan3A_56, %scan3A_57 : i32
    %scan3A_59 = arith.constant 1 : i32
    scf.for %scan3A_146 = %scan3A_56 to %scan3A_58 step %scan3A_59  : i32 {
      %rem3A = arith.constant 3 : i32
      %rem3A_147 = arith.remsi %scan3A_146, %rem3A : i32
      %mul3A_148 = arith.constant 128 : i32
      %mul3A_149 = arith.muli %scan3A_146, %mul3A_148 : i32
      %dma_wait3A_150 = arith.constant 0 : i32
      %dma_wait3A_151 = arith.constant 0 : i32
      %dma_wait3A_152 = tpu.memref_slice %arg6[%rem3A_147, %dma_wait3A_150, %dma_wait3A_151] : memref<3x128x128xf32, #tpu.memory_space<vmem>> -> memref<1x128x128xf32, #tpu.memory_space<vmem>>
      %dma_wait3A_153 = tpu.memref_squeeze %dma_wait3A_152 : memref<1x128x128xf32, #tpu.memory_space<vmem>> -> memref<128x128xf32, #tpu.memory_space<vmem>>
      %dma_wait3A_154 = tpu.memref_slice %arg5[%mul3A_149] : memref<2048xi32, #tpu.memory_space<vmem>> -> memref<128xi32, #tpu.memory_space<vmem>>
      %dma_wait3A_155 = arith.constant 0 : i32
      %dma_wait3A_156 = arith.constant 0 : i32
      %dma_wait3A_157 = tpu.memref_slice %arg7[%dma_wait3A_155, %dma_wait3A_156] : memref<8192x128xf32, #tpu.memory_space<vmem_shared>> -> memref<8192x128xf32, #tpu.memory_space<vmem_shared>>
      %dma_wait3A_158 = tpu.memref_slice %arg8[%rem3A_147] : memref<3x!tpu.dma_semaphore, #tpu.memory_space<semaphore_mem>> -> memref<1x!tpu.dma_semaphore, #tpu.memory_space<semaphore_mem>>
      %dma_wait3A_159 = tpu.memref_squeeze %dma_wait3A_158 : memref<1x!tpu.dma_semaphore, #tpu.memory_space<semaphore_mem>> -> memref<!tpu.dma_semaphore, #tpu.memory_space<semaphore_mem>>
      tpu.wait_indirect_dma semaphore(%dma_wait3A_159 : memref<!tpu.dma_semaphore, #tpu.memory_space<semaphore_mem>>) src(%dma_wait3A_157 : memref<8192x128xf32, #tpu.memory_space<vmem_shared>>) dst(%dma_wait3A_153 : memref<128x128xf32, #tpu.memory_space<vmem>>)
      %mul3A_160 = arith.constant 128 : i32
      %mul3A_161 = arith.muli %scan3A_146, %mul3A_160 : i32
      %add3A_162 = arith.addi %mul3A_2, %mul3A_161 : i32
      %dma_start3A_163 = arith.constant 0 : i32
      %dma_start3A_164 = arith.constant 0 : i32
      %dma_start3A_165 = tpu.memref_slice %arg6[%rem3A_147, %dma_start3A_163, %dma_start3A_164] : memref<3x128x128xf32, #tpu.memory_space<vmem>> -> memref<1x128x128xf32, #tpu.memory_space<vmem>>
      %dma_start3A_166 = tpu.memref_squeeze %dma_start3A_165 : memref<1x128x128xf32, #tpu.memory_space<vmem>> -> memref<128x128xf32, #tpu.memory_space<vmem>>
      %dma_start3A_167 = arith.constant 0 : i32
      %dma_start3A_168 = tpu.memref_slice %arg4[%add3A_162, %dma_start3A_167] : memref<65536x128xf32, #tpu.memory_space<hbm>> -> memref<128x128xf32, #tpu.memory_space<hbm>>
      %dma_start3A_169 = tpu.memref_slice %arg9[%rem3A_147] : memref<3x!tpu.dma_semaphore, #tpu.memory_space<semaphore_mem>> -> memref<1x!tpu.dma_semaphore, #tpu.memory_space<semaphore_mem>>
      %dma_start3A_170 = tpu.memref_squeeze %dma_start3A_169 : memref<1x!tpu.dma_semaphore, #tpu.memory_space<semaphore_mem>> -> memref<!tpu.dma_semaphore, #tpu.memory_space<semaphore_mem>>
      %dma_start3A_171 = arith.constant 0 : i32
      %dma_start3A_172 = tpu.memref_slice %arg4[%add3A_162, %dma_start3A_171] : memref<65536x128xf32, #tpu.memory_space<hbm>> -> memref<128x128xf32, #tpu.memory_space<hbm>>
      %dma_start3A_173 = arith.constant 0 : i32
      %dma_start3A_174 = arith.constant 0 : i32
      %dma_start3A_175 = tpu.memref_slice %arg6[%rem3A_147, %dma_start3A_173, %dma_start3A_174] : memref<3x128x128xf32, #tpu.memory_space<vmem>> -> memref<1x128x128xf32, #tpu.memory_space<vmem>>
      %dma_start3A_176 = tpu.memref_squeeze %dma_start3A_175 : memref<1x128x128xf32, #tpu.memory_space<vmem>> -> memref<128x128xf32, #tpu.memory_space<vmem>>
      tpu.enqueue_dma source(%dma_start3A_176 : memref<128x128xf32, #tpu.memory_space<vmem>>) target(%dma_start3A_172 : memref<128x128xf32, #tpu.memory_space<hbm>>) target_semaphore(%dma_start3A_170 : memref<!tpu.dma_semaphore, #tpu.memory_space<semaphore_mem>>)
      %sub3A = arith.constant 2 : i32
      %sub3A_177 = arith.subi %scan3A_146, %sub3A : i32
      %ge3A = arith.constant 0 : i32
      %ge3A_178 = arith.cmpi sge, %sub3A_177, %ge3A : i32
      %convert_element_type3A = arith.extui %ge3A_178 : i1 to i32
      %cond3A = arith.constant 0 : i32
      %cond3A_179 = arith.cmpi ne, %convert_element_type3A, %cond3A : i32
      scf.if %cond3A_179 {
        %rem3A_180 = arith.constant 3 : i32
        %rem3A_181 = arith.remsi %sub3A_177, %rem3A_180 : i32
        %mul3A_182 = arith.constant 128 : i32
        %mul3A_183 = arith.muli %sub3A_177, %mul3A_182 : i32
        %add3A_184 = arith.addi %mul3A_2, %mul3A_183 : i32
        %dma_wait3A_185 = arith.constant 0 : i32
        %dma_wait3A_186 = arith.constant 0 : i32
        %dma_wait3A_187 = tpu.memref_slice %arg6[%rem3A_181, %dma_wait3A_185, %dma_wait3A_186] : memref<3x128x128xf32, #tpu.memory_space<vmem>> -> memref<1x128x128xf32, #tpu.memory_space<vmem>>
        %dma_wait3A_188 = tpu.memref_squeeze %dma_wait3A_187 : memref<1x128x128xf32, #tpu.memory_space<vmem>> -> memref<128x128xf32, #tpu.memory_space<vmem>>
        %dma_wait3A_189 = arith.constant 0 : i32
        %dma_wait3A_190 = tpu.memref_slice %arg4[%add3A_184, %dma_wait3A_189] : memref<65536x128xf32, #tpu.memory_space<hbm>> -> memref<128x128xf32, #tpu.memory_space<hbm>>
        %dma_wait3A_191 = tpu.memref_slice %arg9[%rem3A_181] : memref<3x!tpu.dma_semaphore, #tpu.memory_space<semaphore_mem>> -> memref<1x!tpu.dma_semaphore, #tpu.memory_space<semaphore_mem>>
        %dma_wait3A_192 = tpu.memref_squeeze %dma_wait3A_191 : memref<1x!tpu.dma_semaphore, #tpu.memory_space<semaphore_mem>> -> memref<!tpu.dma_semaphore, #tpu.memory_space<semaphore_mem>>
        %dma_wait3A_193 = arith.constant 0 : i32
        %dma_wait3A_194 = tpu.memref_slice %arg4[%add3A_184, %dma_wait3A_193] : memref<65536x128xf32, #tpu.memory_space<hbm>> -> memref<128x128xf32, #tpu.memory_space<hbm>>
        %dma_wait3A_195 = arith.constant 0 : i32
        %dma_wait3A_196 = arith.constant 0 : i32
        %dma_wait3A_197 = tpu.memref_slice %arg6[%rem3A_181, %dma_wait3A_195, %dma_wait3A_196] : memref<3x128x128xf32, #tpu.memory_space<vmem>> -> memref<1x128x128xf32, #tpu.memory_space<vmem>>
        %dma_wait3A_198 = tpu.memref_squeeze %dma_wait3A_197 : memref<1x128x128xf32, #tpu.memory_space<vmem>> -> memref<128x128xf32, #tpu.memory_space<vmem>>
        tpu.wait_dma2 semaphore(%dma_wait3A_192 : memref<!tpu.dma_semaphore, #tpu.memory_space<semaphore_mem>>) src(%dma_wait3A_198 : memref<128x128xf32, #tpu.memory_space<vmem>>) dst(%dma_wait3A_194 : memref<128x128xf32, #tpu.memory_space<hbm>>)
        %add3A_199 = arith.constant 3 : i32
        %add3A_200 = arith.addi %sub3A_177, %add3A_199 : i32
        %mul3A_201 = arith.constant 128 : i32
        %mul3A_202 = arith.muli %add3A_200, %mul3A_201 : i32
        %dma_start3A_203 = arith.constant 0 : i32
        %dma_start3A_204 = arith.constant 0 : i32
        %dma_start3A_205 = tpu.memref_slice %arg6[%rem3A_181, %dma_start3A_203, %dma_start3A_204] : memref<3x128x128xf32, #tpu.memory_space<vmem>> -> memref<1x128x128xf32, #tpu.memory_space<vmem>>
        %dma_start3A_206 = tpu.memref_squeeze %dma_start3A_205 : memref<1x128x128xf32, #tpu.memory_space<vmem>> -> memref<128x128xf32, #tpu.memory_space<vmem>>
        %dma_start3A_207 = tpu.memref_slice %arg5[%mul3A_202] : memref<2048xi32, #tpu.memory_space<vmem>> -> memref<128xi32, #tpu.memory_space<vmem>>
        %dma_start3A_208 = arith.constant 0 : i32
        %dma_start3A_209 = arith.constant 0 : i32
        %dma_start3A_210 = tpu.memref_slice %arg7[%dma_start3A_208, %dma_start3A_209] : memref<8192x128xf32, #tpu.memory_space<vmem_shared>> -> memref<8192x128xf32, #tpu.memory_space<vmem_shared>>
        %dma_start3A_211 = tpu.memref_slice %arg8[%rem3A_181] : memref<3x!tpu.dma_semaphore, #tpu.memory_space<semaphore_mem>> -> memref<1x!tpu.dma_semaphore, #tpu.memory_space<semaphore_mem>>
        %dma_start3A_212 = tpu.memref_squeeze %dma_start3A_211 : memref<1x!tpu.dma_semaphore, #tpu.memory_space<semaphore_mem>> -> memref<!tpu.dma_semaphore, #tpu.memory_space<semaphore_mem>>
        tpu.enqueue_indirect_dma source(%dma_start3A_210 : memref<8192x128xf32, #tpu.memory_space<vmem_shared>>) target(%dma_start3A_206 : memref<128x128xf32, #tpu.memory_space<vmem>>) offsets(%dma_start3A_207 : memref<128xi32, #tpu.memory_space<vmem>>) semaphore(%dma_start3A_212 : memref<!tpu.dma_semaphore, #tpu.memory_space<semaphore_mem>>)
      } else {
      }
    }
    %scan3A_60 = arith.constant 15 : i32
    %dma_wait3A_61 = arith.constant 0 : i32
    %dma_wait3A_62 = arith.constant 0 : i32
    %dma_wait3A_63 = arith.constant 0 : i32
    %dma_wait3A_64 = arith.constant 0 : i32
    %dma_wait3A_65 = tpu.memref_slice %arg6[%dma_wait3A_61, %dma_wait3A_63, %dma_wait3A_64] : memref<3x128x128xf32, #tpu.memory_space<vmem>> -> memref<1x128x128xf32, #tpu.memory_space<vmem>>
    %dma_wait3A_66 = tpu.memref_squeeze %dma_wait3A_65 : memref<1x128x128xf32, #tpu.memory_space<vmem>> -> memref<128x128xf32, #tpu.memory_space<vmem>>
    %dma_wait3A_67 = arith.constant 1920 : i32
    %dma_wait3A_68 = tpu.memref_slice %arg5[%dma_wait3A_67] : memref<2048xi32, #tpu.memory_space<vmem>> -> memref<128xi32, #tpu.memory_space<vmem>>
    %dma_wait3A_69 = arith.constant 0 : i32
    %dma_wait3A_70 = arith.constant 0 : i32
    %dma_wait3A_71 = tpu.memref_slice %arg7[%dma_wait3A_69, %dma_wait3A_70] : memref<8192x128xf32, #tpu.memory_space<vmem_shared>> -> memref<8192x128xf32, #tpu.memory_space<vmem_shared>>
    %dma_wait3A_72 = tpu.memref_slice %arg8[%dma_wait3A_62] : memref<3x!tpu.dma_semaphore, #tpu.memory_space<semaphore_mem>> -> memref<1x!tpu.dma_semaphore, #tpu.memory_space<semaphore_mem>>
    %dma_wait3A_73 = tpu.memref_squeeze %dma_wait3A_72 : memref<1x!tpu.dma_semaphore, #tpu.memory_space<semaphore_mem>> -> memref<!tpu.dma_semaphore, #tpu.memory_space<semaphore_mem>>
    tpu.wait_indirect_dma semaphore(%dma_wait3A_73 : memref<!tpu.dma_semaphore, #tpu.memory_space<semaphore_mem>>) src(%dma_wait3A_71 : memref<8192x128xf32, #tpu.memory_space<vmem_shared>>) dst(%dma_wait3A_66 : memref<128x128xf32, #tpu.memory_space<vmem>>)
    %add3A_74 = arith.constant 1920 : i32
    %add3A_75 = arith.addi %mul3A_2, %add3A_74 : i32
    %dma_start3A_76 = arith.constant 0 : i32
    %dma_start3A_77 = arith.constant 0 : i32
    %dma_start3A_78 = arith.constant 0 : i32
    %dma_start3A_79 = arith.constant 0 : i32
    %dma_start3A_80 = tpu.memref_slice %arg6[%dma_start3A_76, %dma_start3A_78, %dma_start3A_79] : memref<3x128x128xf32, #tpu.memory_space<vmem>> -> memref<1x128x128xf32, #tpu.memory_space<vmem>>
    %dma_start3A_81 = tpu.memref_squeeze %dma_start3A_80 : memref<1x128x128xf32, #tpu.memory_space<vmem>> -> memref<128x128xf32, #tpu.memory_space<vmem>>
    %dma_start3A_82 = arith.constant 0 : i32
    %dma_start3A_83 = tpu.memref_slice %arg4[%add3A_75, %dma_start3A_82] : memref<65536x128xf32, #tpu.memory_space<hbm>> -> memref<128x128xf32, #tpu.memory_space<hbm>>
    %dma_start3A_84 = tpu.memref_slice %arg9[%dma_start3A_77] : memref<3x!tpu.dma_semaphore, #tpu.memory_space<semaphore_mem>> -> memref<1x!tpu.dma_semaphore, #tpu.memory_space<semaphore_mem>>
    %dma_start3A_85 = tpu.memref_squeeze %dma_start3A_84 : memref<1x!tpu.dma_semaphore, #tpu.memory_space<semaphore_mem>> -> memref<!tpu.dma_semaphore, #tpu.memory_space<semaphore_mem>>
    %dma_start3A_86 = arith.constant 0 : i32
    %dma_start3A_87 = tpu.memref_slice %arg4[%add3A_75, %dma_start3A_86] : memref<65536x128xf32, #tpu.memory_space<hbm>> -> memref<128x128xf32, #tpu.memory_space<hbm>>
    %dma_start3A_88 = arith.constant 0 : i32
    %dma_start3A_89 = arith.constant 0 : i32
    %dma_start3A_90 = tpu.memref_slice %arg6[%dma_start3A_76, %dma_start3A_88, %dma_start3A_89] : memref<3x128x128xf32, #tpu.memory_space<vmem>> -> memref<1x128x128xf32, #tpu.memory_space<vmem>>
    %dma_start3A_91 = tpu.memref_squeeze %dma_start3A_90 : memref<1x128x128xf32, #tpu.memory_space<vmem>> -> memref<128x128xf32, #tpu.memory_space<vmem>>
    tpu.enqueue_dma source(%dma_start3A_91 : memref<128x128xf32, #tpu.memory_space<vmem>>) target(%dma_start3A_87 : memref<128x128xf32, #tpu.memory_space<hbm>>) target_semaphore(%dma_start3A_85 : memref<!tpu.dma_semaphore, #tpu.memory_space<semaphore_mem>>)
    %add3A_92 = arith.constant 1664 : i32
    %add3A_93 = arith.addi %mul3A_2, %add3A_92 : i32
    %dma_wait3A_94 = arith.constant 1 : i32
    %dma_wait3A_95 = arith.constant 1 : i32
    %dma_wait3A_96 = arith.constant 0 : i32
    %dma_wait3A_97 = arith.constant 0 : i32
    %dma_wait3A_98 = tpu.memref_slice %arg6[%dma_wait3A_94, %dma_wait3A_96, %dma_wait3A_97] : memref<3x128x128xf32, #tpu.memory_space<vmem>> -> memref<1x128x128xf32, #tpu.memory_space<vmem>>
    %dma_wait3A_99 = tpu.memref_squeeze %dma_wait3A_98 : memref<1x128x128xf32, #tpu.memory_space<vmem>> -> memref<128x128xf32, #tpu.memory_space<vmem>>
    %dma_wait3A_100 = arith.constant 0 : i32
    %dma_wait3A_101 = tpu.memref_slice %arg4[%add3A_93, %dma_wait3A_100] : memref<65536x128xf32, #tpu.memory_space<hbm>> -> memref<128x128xf32, #tpu.memory_space<hbm>>
    %dma_wait3A_102 = tpu.memref_slice %arg9[%dma_wait3A_95] : memref<3x!tpu.dma_semaphore, #tpu.memory_space<semaphore_mem>> -> memref<1x!tpu.dma_semaphore, #tpu.memory_space<semaphore_mem>>
    %dma_wait3A_103 = tpu.memref_squeeze %dma_wait3A_102 : memref<1x!tpu.dma_semaphore, #tpu.memory_space<semaphore_mem>> -> memref<!tpu.dma_semaphore, #tpu.memory_space<semaphore_mem>>
    %dma_wait3A_104 = arith.constant 0 : i32
    %dma_wait3A_105 = tpu.memref_slice %arg4[%add3A_93, %dma_wait3A_104] : memref<65536x128xf32, #tpu.memory_space<hbm>> -> memref<128x128xf32, #tpu.memory_space<hbm>>
    %dma_wait3A_106 = arith.constant 0 : i32
    %dma_wait3A_107 = arith.constant 0 : i32
    %dma_wait3A_108 = tpu.memref_slice %arg6[%dma_wait3A_94, %dma_wait3A_106, %dma_wait3A_107] : memref<3x128x128xf32, #tpu.memory_space<vmem>> -> memref<1x128x128xf32, #tpu.memory_space<vmem>>
    %dma_wait3A_109 = tpu.memref_squeeze %dma_wait3A_108 : memref<1x128x128xf32, #tpu.memory_space<vmem>> -> memref<128x128xf32, #tpu.memory_space<vmem>>
    tpu.wait_dma2 semaphore(%dma_wait3A_103 : memref<!tpu.dma_semaphore, #tpu.memory_space<semaphore_mem>>) src(%dma_wait3A_109 : memref<128x128xf32, #tpu.memory_space<vmem>>) dst(%dma_wait3A_105 : memref<128x128xf32, #tpu.memory_space<hbm>>)
    %add3A_110 = arith.constant 1792 : i32
    %add3A_111 = arith.addi %mul3A_2, %add3A_110 : i32
    %dma_wait3A_112 = arith.constant 2 : i32
    %dma_wait3A_113 = arith.constant 2 : i32
    %dma_wait3A_114 = arith.constant 0 : i32
    %dma_wait3A_115 = arith.constant 0 : i32
    %dma_wait3A_116 = tpu.memref_slice %arg6[%dma_wait3A_112, %dma_wait3A_114, %dma_wait3A_115] : memref<3x128x128xf32, #tpu.memory_space<vmem>> -> memref<1x128x128xf32, #tpu.memory_space<vmem>>
    %dma_wait3A_117 = tpu.memref_squeeze %dma_wait3A_116 : memref<1x128x128xf32, #tpu.memory_space<vmem>> -> memref<128x128xf32, #tpu.memory_space<vmem>>
    %dma_wait3A_118 = arith.constant 0 : i32
    %dma_wait3A_119 = tpu.memref_slice %arg4[%add3A_111, %dma_wait3A_118] : memref<65536x128xf32, #tpu.memory_space<hbm>> -> memref<128x128xf32, #tpu.memory_space<hbm>>
    %dma_wait3A_120 = tpu.memref_slice %arg9[%dma_wait3A_113] : memref<3x!tpu.dma_semaphore, #tpu.memory_space<semaphore_mem>> -> memref<1x!tpu.dma_semaphore, #tpu.memory_space<semaphore_mem>>
    %dma_wait3A_121 = tpu.memref_squeeze %dma_wait3A_120 : memref<1x!tpu.dma_semaphore, #tpu.memory_space<semaphore_mem>> -> memref<!tpu.dma_semaphore, #tpu.memory_space<semaphore_mem>>
    %dma_wait3A_122 = arith.constant 0 : i32
    %dma_wait3A_123 = tpu.memref_slice %arg4[%add3A_111, %dma_wait3A_122] : memref<65536x128xf32, #tpu.memory_space<hbm>> -> memref<128x128xf32, #tpu.memory_space<hbm>>
    %dma_wait3A_124 = arith.constant 0 : i32
    %dma_wait3A_125 = arith.constant 0 : i32
    %dma_wait3A_126 = tpu.memref_slice %arg6[%dma_wait3A_112, %dma_wait3A_124, %dma_wait3A_125] : memref<3x128x128xf32, #tpu.memory_space<vmem>> -> memref<1x128x128xf32, #tpu.memory_space<vmem>>
    %dma_wait3A_127 = tpu.memref_squeeze %dma_wait3A_126 : memref<1x128x128xf32, #tpu.memory_space<vmem>> -> memref<128x128xf32, #tpu.memory_space<vmem>>
    tpu.wait_dma2 semaphore(%dma_wait3A_121 : memref<!tpu.dma_semaphore, #tpu.memory_space<semaphore_mem>>) src(%dma_wait3A_127 : memref<128x128xf32, #tpu.memory_space<vmem>>) dst(%dma_wait3A_123 : memref<128x128xf32, #tpu.memory_space<hbm>>)
    %add3A_128 = arith.constant 1920 : i32
    %add3A_129 = arith.addi %mul3A_2, %add3A_128 : i32
    %dma_wait3A_130 = arith.constant 0 : i32
    %dma_wait3A_131 = arith.constant 0 : i32
    %dma_wait3A_132 = arith.constant 0 : i32
    %dma_wait3A_133 = arith.constant 0 : i32
    %dma_wait3A_134 = tpu.memref_slice %arg6[%dma_wait3A_130, %dma_wait3A_132, %dma_wait3A_133] : memref<3x128x128xf32, #tpu.memory_space<vmem>> -> memref<1x128x128xf32, #tpu.memory_space<vmem>>
    %dma_wait3A_135 = tpu.memref_squeeze %dma_wait3A_134 : memref<1x128x128xf32, #tpu.memory_space<vmem>> -> memref<128x128xf32, #tpu.memory_space<vmem>>
    %dma_wait3A_136 = arith.constant 0 : i32
    %dma_wait3A_137 = tpu.memref_slice %arg4[%add3A_129, %dma_wait3A_136] : memref<65536x128xf32, #tpu.memory_space<hbm>> -> memref<128x128xf32, #tpu.memory_space<hbm>>
    %dma_wait3A_138 = tpu.memref_slice %arg9[%dma_wait3A_131] : memref<3x!tpu.dma_semaphore, #tpu.memory_space<semaphore_mem>> -> memref<1x!tpu.dma_semaphore, #tpu.memory_space<semaphore_mem>>
    %dma_wait3A_139 = tpu.memref_squeeze %dma_wait3A_138 : memref<1x!tpu.dma_semaphore, #tpu.memory_space<semaphore_mem>> -> memref<!tpu.dma_semaphore, #tpu.memory_space<semaphore_mem>>
    %dma_wait3A_140 = arith.constant 0 : i32
    %dma_wait3A_141 = tpu.memref_slice %arg4[%add3A_129, %dma_wait3A_140] : memref<65536x128xf32, #tpu.memory_space<hbm>> -> memref<128x128xf32, #tpu.memory_space<hbm>>
    %dma_wait3A_142 = arith.constant 0 : i32
    %dma_wait3A_143 = arith.constant 0 : i32
    %dma_wait3A_144 = tpu.memref_slice %arg6[%dma_wait3A_130, %dma_wait3A_142, %dma_wait3A_143] : memref<3x128x128xf32, #tpu.memory_space<vmem>> -> memref<1x128x128xf32, #tpu.memory_space<vmem>>
    %dma_wait3A_145 = tpu.memref_squeeze %dma_wait3A_144 : memref<1x128x128xf32, #tpu.memory_space<vmem>> -> memref<128x128xf32, #tpu.memory_space<vmem>>
    tpu.wait_dma2 semaphore(%dma_wait3A_139 : memref<!tpu.dma_semaphore, #tpu.memory_space<semaphore_mem>>) src(%dma_wait3A_145 : memref<128x128xf32, #tpu.memory_space<vmem>>) dst(%dma_wait3A_141 : memref<128x128xf32, #tpu.memory_space<hbm>>)
    return
  }
}

</mosaic_0001>

<sc_bundles>
// kernel: _lookup.3.cloned.1.call-start
scs
__scs_entry_jumppad:
0x0: {  	(pc) =	sbr.rel $0x88, $3  }
0x1: {  	(tag) =	ssettag $0x0;
	lr =	simm.s32 $0x1  }
0x2: {  	[smem:$0x3F9F] =	sst lr;
	_ =	strace $0xD0000000  }
0x3: {  	_ = 	snop  }
0x4: {  	_ = 	snop  }
0x5: {  	_ = 	snop  }
0x6: {  	_ = 	snop  }
0x7: {  	_ = 	snop  }
__scs_overlays_trampoline_lowered:
0x8: {  	[smem:$0x3FAE] =	sst s0  }
0x9: {  	[smem:$0x3FAF] =	sst s1  }
0xa: {  	[smem:$0x3FB0] =	sst s2  }
0xb: {  	[smem:$0x3FB1] =	sst s3  }
0xc: {  	[smem:$0x3FB2] =	sst s4  }
0xd: {  	[smem:$0x3FB3] =	sst s5  }
0xe: {  	[smem:$0x3FB4] =	sst s6  }
0xf: {  	[smem:$0x3FB5] =	sst s7  }
0x10: {  	[smem:$0x3FB6] =	sst s8  }
0x11: {  	[smem:$0x3FB7] =	sst s9;
	s0 =	simm.s32 @!p0 $0x0  }
0x12: {  	s1 =	sld [smem:$0x3F9D];
	s0 =	simm.s32 @p0 $0x1  }
0x13: {  	[smem:$0x3FB8] =	sst s0;
	s0 =	simm.s32 @!p1 $0x0  }
0x14: {  	s2 =	sld [smem:$0x3F9C];
	s0 =	simm.s32 @p1 $0x1  }
0x15: {  	[smem:$0x3FB9] =	sst s0;
	s0 =	simm.s32 @!p2 $0x0  }
0x16: {  	s3 =	sld [smem:$0x3FDB];
	s0 =	simm.s32 @p2 $0x1  }
0x17: {  	s4 =	simm.s32 $0x1BF5;
	[smem:$0x3FBB] =	sst s0  }
0x18: {  	s0 =	sld [smem:$0x3F9E];
	_ =	swait.ge [sflag:s4], $0x0  }
0x19: {  	s7 =	sld [smem:$0x3F9F]  }
0x1a: {  	s8 =	sadd.s32 $0xFFFFE003, lr  }
0x1b: {  	s9 =	sadd.s32 $0xFFFFFEF7, lr;
	s5 =	simm.s32 $0xFFFFFFFF;
	p2 =	slt.u32 s8, $0xFFFFF086  }
0x1c: {  	p1 =	slt.u32 s9, $0xF7A;
	s5 =	simm.s32 @!p2 $0x0  }
0x1d: {  	s5 =	simm.s32 @p1 $0x1;
	p0 =	seq.s32 s7, s2  }
0x1e: {  	s7 =	smul.u32 @!p0 $0xF7A, s2;
	p2 =	seq.s32 @!p0 s5, $0x0  }
0x1f: {  	s9 =	smul.u32 $0xF7A, s1;
	s8 =	simm.s32 @!p0 $0x1BF5;
	p2 =	por !p2, p0  }
0x20: {  	[sflag:s8] =	ssyncset.s32 @!p0 $0xFFFFF086;
	s6 =	sadd.s32 @!p0 s3, s7;
	s7 =	simm.s32 @!p0 $0x108  }
0x21: {  	s3 =	sadd.s32 s3, s9;
	s6 =	sadd.s32 @!p0 $0x88, s6;
	s7 =	simm.s32 @p2 $0x1082  }
0x22: {  	[simem:s7], [sflag:s8] =	dma.local @!p0 [hbm:s6], $0xF7A  }
0x23: {  	s9 =	sor.u32 $0xD0000000, s2;
	s6 =	simm.s32 $0x108;
	_ =	swait.ge @!p0 [sflag:s8], $0x0  }
0x24: {  	s3 =	sadd.s32 $0x88, s3;
	s6 =	simm.s32 @!p1 $0x1082;
	[sflag:s4] =	ssyncset.s32 $0xFFFFF086  }
0x25: {  	[simem:s6], [sflag:s4] =	dma.local [hbm:s3], $0xF7A  }
0x26: {  	[smem:$0x3F9F] =	sst s1;
	(tag) =	ssettag s2;
	_ =	strace s9  }
0x27: {  	s1 =	sld [smem:$0x3FAF]  }
0x28: {  	s2 =	sld [smem:$0x3FB0]  }
0x29: {  	s4 =	sld [smem:$0x3FB2]  }
0x2a: {  	p0 =	seq.s32 s5, $0x0;
	s5 =	sld [smem:$0x3FB3]  }
0x2b: {  	s6 =	sld [smem:$0x3FB4]  }
0x2c: {  	s7 =	sld [smem:$0x3FB5]  }
0x2d: {  	s3 =	simm.s32 $0x108;
	s8 =	sld [smem:$0x3FB6]  }
0x2e: {  	s3 =	simm.s32 @!p0 $0x1082;
	s9 =	sld [smem:$0x3FB7]  }
0x2f: {  	lr =	sadd.s32 s0, s3;
	s0 =	sld [smem:$0x3FAE]  }
0x30: {  	s3 =	sld [smem:$0x3FB1]  }
0x31: {  	[smem:$0x3FBA] =	sst s10  }
0x32: {  	s10 =	sld [smem:$0x3FB8];
	_ =	sdelay $0x3  }
0x33: {  	p0 =	seq.s32 s10, $0x1;
	s10 =	sld [smem:$0x3FBA];
	_ =	sdelay $0x3  }
0x34: {  	[smem:$0x3FBA] =	sst s10  }
0x35: {  	s10 =	sld [smem:$0x3FB9];
	_ =	sdelay $0x3  }
0x36: {  	p1 =	seq.s32 s10, $0x1;
	s10 =	sld [smem:$0x3FBA];
	_ =	sdelay $0x3  }
0x37: {  	[smem:$0x3FBA] =	sst s10  }
0x38: {  	s10 =	sld [smem:$0x3FBB]  }
0x39: {  	_ = 	snop;
	(pc) =	sbr.ind lr, $3  }
0x3a: {  	_ = 	snop  }
0x3b: {  	_ = 	snop  }
0x3c: {  	p2 =	seq.s32 s10, $0x1;
	s10 =	sld [smem:$0x3FBA]  }
0x3d: {  	_ =	shalt  }
0x3e: {  	_ =	shalt  }
0x3f: {  	_ =	shalt  }
0x40: {  	_ =	shalt  }
0x41: {  	_ =	shalt  }
0x42: {  	_ =	shalt  }
0x43: {  	_ =	shalt  }
0x44: {  	_ =	shalt  }
0x45: {  	_ =	shalt  }
0x46: {  	_ =	shalt  }
0x47: {  	_ =	shalt  }
0x48: {  	_ =	shalt  }
0x49: {  	_ =	shalt  }
0x4a: {  	_ =	shalt  }
0x4b: {  	_ =	shalt  }
0x4c: {  	_ =	shalt  }
0x4d: {  	_ =	shalt  }
0x4e: {  	_ =	shalt  }
0x4f: {  	_ =	shalt  }
0x50: {  	_ =	shalt  }
0x51: {  	_ =	shalt  }
0x52: {  	_ =	shalt  }
0x53: {  	_ =	shalt  }
0x54: {  	_ =	shalt  }
0x55: {  	_ =	shalt  }
0x56: {  	_ =	shalt  }
0x57: {  	_ =	shalt  }
0x58: {  	_ =	shalt  }
0x59: {  	_ =	shalt  }
0x5a: {  	_ =	shalt  }
0x5b: {  	_ =	shalt  }
0x5c: {  	_ =	shalt  }
0x5d: {  	_ =	shalt  }
0x5e: {  	_ =	shalt  }
0x5f: {  	_ =	shalt  }
0x60: {  	_ =	shalt  }
0x61: {  	_ =	shalt  }
0x62: {  	_ =	shalt  }
0x63: {  	_ =	shalt  }
0x64: {  	_ =	shalt  }
0x65: {  	_ =	shalt  }
0x66: {  	_ =	shalt  }
0x67: {  	_ =	shalt  }
0x68: {  	_ =	shalt  }
0x69: {  	_ =	shalt  }
0x6a: {  	_ =	shalt  }
0x6b: {  	_ =	shalt  }
0x6c: {  	_ =	shalt  }
0x6d: {  	_ =	shalt  }
0x6e: {  	_ =	shalt  }
0x6f: {  	_ =	shalt  }
0x70: {  	_ =	shalt  }
0x71: {  	_ =	shalt  }
0x72: {  	_ =	shalt  }
0x73: {  	_ =	shalt  }
0x74: {  	_ =	shalt  }
0x75: {  	_ =	shalt  }
0x76: {  	_ =	shalt  }
0x77: {  	_ =	shalt  }
0x78: {  	_ =	shalt  }
0x79: {  	_ =	shalt  }
0x7a: {  	_ =	shalt  }
0x7b: {  	_ =	shalt  }
0x7c: {  	_ =	shalt  }
0x7d: {  	_ =	shalt  }
0x7e: {  	_ =	shalt  }
0x7f: {  	_ =	shalt  }
0x80: {  	_ =	shalt  }
0x81: {  	_ =	shalt  }
0x82: {  	_ =	shalt  }
0x83: {  	_ =	shalt  }
0x84: {  	_ =	shalt  }
0x85: {  	_ =	shalt  }
0x86: {  	_ =	shalt  }
0x87: {  	_ =	shalt  }
.Lfunc_end0:
.L_simem_size_0:
called_computation_lowered:
.L_overlay_start_0:
0x88: {  	s2 =	sld [smem:$0x3FD9]  }
0x89: {  	s3 =	sld [smem:$0x3FFE];
	_ =	sdelay $0x1  }
0x8a: {  	s1 =	srdreg.scid  }
0x8b: {  	s0 =	sand.u32 $0x1, s1  }
0x8c: {  	s18 =	sshll.u32 s0, $0xA;
	s2 =	sadd.s32 s3, s2  }
0x8d: {  	s2 =	sadd.s32 s2, s18  }
0x8e: {  	[smem:$0x3FC6] =	sst s2  }
0x8f: {  	_ = 	snop  }
0x90: {  	s2 =	sld [smem:$0x3FC9]  }
0x91: {  	s19 =	sld [smem:$0x3FC8]  }
0x92: {  	s4 =	sld [smem:$0x3FD0];
	(tm) =	ssettm $0x1  }
0x93: {  	s5 =	sld [smem:$0x3FFB];
	_ =	sdelay $0x3  }
0x94: {  	_ =	strace s5  }
0x95: {  	s5 =	sld [smem:$0x3FFC];
	_ =	sdelay $0x3  }
0x96: {  	_ =	strace s5  }
0x97: {  	s5 =	sld [smem:$0x3FFD];
	_ =	sdelay $0x3  }
0x98: {  	_ =	strace s5  }
0x99: {  	_ =	strace $0x8FFFFFFF  }
0x9a: {  	s20 =	sld [smem:$0x3FDB];
	_ =	sdelay $0x1  }
0x9b: {  	s6 =	simm.s32 $_scs_section_size  }
0x9c: {  	s7 =	simm.s32 $_size__tile_overlayer_lowered;
	s8 =	simm.s32 $_tile_overlayer_lowered  }
0x9d: {  	s23 =	simm.s32 $0x1BFF;
	s22 =	sshll.u32 s8, $0x1;
	s5 =	sadd.s32 s6, s20  }
0x9e: {  	s9 =	simm.s32 $0x0;
	s21 =	sshll.u32 s7, $0x1;
	s7 =	sadd.s32 s22, s5  }
0x9f: {  	[timem:s9], [sflag:s23] =	dma.local [hbm:s7], s21  }
0xa0: {  	_ =	swait.ge [sflag:s23], s21  }
0xa1: {  	s6 =	ssub.s32 $0x0, s21;
	[sflag:s23] =	ssyncset.done $0x0  }
0xa2: {  	[sflag:s23] =	ssyncadd.s32 s6;
	_ =	sdelay $0x1  }
0xa3: {  	s24 =	simm.s32 $0x1B8B  }
0xa4: {  	_ =	swait.ge [sflag:s24], $0x1  }
0xa5: {  	[sflag:s24] =	ssyncset.done $0x0  }
0xa6: {  	s25 =	simm.s32 $0x1B8E;
	[sflag:s24] =	ssyncadd.s32 $0xFFFFFFFF  }
0xa7: {  	s26 =	simm.s32 $execute0_lowered;
	[smem:$0x3FD2] =	sst s25  }
0xa8: {  	s6 =	sshll.u32 s26, $0x1;
	_ =	strace $0x80000046;
	[dreg:$0x1] =	wrdreg $0xFFFFFFFF  }
0xa9: {  	s28 =	simm.s32 $_size_execute0_lowered;
	s5 =	sadd.s32 s5, s6;
	[dreg:$0x0] =	wrdreg $0x0  }
0xaa: {  	s6 =	sshll.u32 s28, $0x1;
	[dreg:$0x2] =	wrdreg s5  }
0xab: {  	[dreg:$0x3] =	wrdreg s6  }
0xac: {  	[dreg:$0x4] =	wrdreg $0xC0  }
0xad: {  	_ =	task [dreg:s9], $0x5FFFF  }
0xae: {  	[dreg:$0x1] =	wrdreg $0xFFFFFFFF  }
0xaf: {  	[dreg:$0x0] =	wrdreg $0x60  }
0xb0: {  	[dreg:$0x2] =	wrdreg s2  }
0xb1: {  	[dreg:$0x3] =	wrdreg s19  }
0xb2: {  	[dreg:$0x4] =	wrdreg s4  }
0xb3: {  	[dreg:$0x5] =	wrdreg $0xC8000  }
0xb4: {  	[dreg:$0x6] =	wrdreg $0x9  }
0xb5: {  	_ =	task.clear_ibuf [dreg:s9], $0x7FFFF;
	_ =	strace $0x90000046  }
0xb6: {  	s29 =	simm.s32 $0x9;
	_ =	strace $0x80000048  }
0xb7: {  	_ =	swait.ge [sflag:s29], $0x1  }
0xb8: {  	[sflag:s29] =	ssyncadd.s32 $0xFFFFFFFF  }
0xb9: {  	_ =	strace $0x90000048  }
0xba: {  	_ =	sfence  }
0xbb: {  	s30 =	sld [smem:$0x0];
	_ =	sdelay $0x2  }
0xbc: {  	s31 =	sshll.u32 s1, $0xD;
	s1 =	sshrl.u32 s1, $0x2  }
0xbd: {  	s3 =	sand.u32 $0x4000, s31;
	s1 =	sadd.s32 s1, s30  }
0xbe: {  	s0 =	sor.u32 s3, s0;
	s1 =	sshll.u32 s1, $0x11  }
0xbf: {  	s0 =	sor.u32 s1, s0  }
0xc0: {  	s0 =	sadd.s32 $0x8F2B, s0  }
0xc1: {  	[sflag:s0] =	ssyncadd.remote.s32 $0x1  }
0xc2: {  	_ =	sfence.sel $0xFFFF  }
0xc3: {  	[dreg:$0x0] =	wrdreg $0xFFFFFFFF;
	(pc) =	sbr.abs _section_cstart, $3  }
0xc4: {  	[dreg:$0x1] =	wrdreg $0xFFFFFFFF  }
0xc5: {  	_ =	task.clear_ibuf [dreg:s9], $0x2FFFF;
	_ =	strace $0x9FFFFFFF  }
0xc6: {  	(tm) =	ssettm $0x7FFFFFFF  }
0xc7: {  	_ =	shalt  }
tec
execute0_lowered:
.L_overlay_start_1:
0x0: {  	(tag) =	ssettag $0x1  }
0x1: {  	s0 =	rddreg [dreg:$0x0]  }
0x2: {  	s1 =	rddreg [dreg:$0x1]  }
0x3: {  	s10 =	rddreg [dreg:$0x2]  }
0x4: {  	s2 =	rddreg [dreg:$0x3];
	s4 =	srdreg.scid;
	s3 =	simm.s32 $0x0  }
0x5: {  	s25 =	stileid.u32;
	s16 =	simm.s32 $0x8800;
	s17 =	simm.s32 $0x4  }
0x6: {  	s18 =	simm.s32 $0x1;
	s19 =	simm.s32 $0x5;
	s20 =	simm.s32 $0x6  }
0x7: {  	s21 =	simm.s32 $0x0;
	s11 =	sand.u32 $0x1, s4;
	[smem:$0x7FF] =	sst s3  }
0x8: {  	s26 =	sshll.u32 s25, $0xC;
	s12 =	sshll.u32 s25, $0x10;
	s29 =	sshll.u32 s25, $0xD  }
0x9: {  	s8 =	sshll.u32 s25, $0x6;
	s5 =	ssub.s32 $0x2, s11;
	_ =	strace $0x80000047  }
0xa: {  	s28 =	sshll.u32 s11, $0xB;
	s13 =	sadd.s32 s12, s2;
	s30 =	sadd.s32 s12, s10  }
0xb: {  	s31 =	sshll.u32 s11, $0xF;
	s12 =	simm.s32 $0x7;
	s6 =	sshrl.u32 s5, $0x1  }
0xc: {  	s11 =	sshrl.u32 s13, $0x3;
	s9 =	ssub.s32 s5, s6;
	s6 =	sor.u32 s28, s26  }
0xd: {  	s13 =	simm.s32 $0x800;
	s5 =	sadd.s32 s1, s29;
	s7 =	sshll.u32 s6, $0x4  }
0xe: {  	s14 =	sshrl.u32 s6, $0x3;
	s6 =	sor.u32 $0x1C04, s8;
	s9 =	smax.u32 s9, $0x1  }
0xf: {  	s15 =	sadd.s32 s7, s10;
	s7 =	sadd.s32 s0, s14;
	s10 =	sadd.s32 s31, s30  }
0x10: {  	s14 =	simm.s32 $0x4800;
	s8 =	sadd.s32 $0x7800, s15;
	s15 =	simm.s32 $0x100  }
.LBB2_1:
0x11: {  	[spmem:s11], [sflag:s6] =	dma.local [hbm:s5], $0x2000  }
0x12: {  	[tilespmem:s3], [sflag:$0x7] =	stream.linear.gather [hbm4b:s7+s3], $0x800, $0x38;
	[tilespmem:$0x1C800] =	vst v63  }
0x13: {  	s0 =	smul.u32 $0xAB, s3;
	p0 =	por $0x1, $0x1;
	_ =	swait.ge [sflag:s12], $0x800  }
0x14: {  	s24 =	simm.s32 $0x80;
	s22 =	simm.s32 @!p0 $0xFFFFFFFE;
	[sflag:s12] =	ssyncset.done $0x0  }
0x15: {  	s0 =	sshrl.u32 s0, $0x9;
	s22 =	sand.u32 @!p0 $0xFF, s22;
	[sflag:s12] =	ssyncadd.s32 $0xFFFFF800  }
0x16: {  	[tilespmem:s13], [sflag:$0x1] =	stream.indirect.gather [hbm4b:s1+s24], $0x80, s3, s24, $0xb8;
	[tilespmem:$0x1C800] =	vst v63  }
0x17: {  	s0 =	sand.u32 $0x7F, s0;
	s23 =	smul.u32 @!p0 $0xAB, s22  }
0x18: {  	[tilespmem:s14], [sflag:$0x2] =	stream.indirect.gather [hbm4b:s1+s24], $0x80, s24, s24, $0xb8;
	[tilespmem:$0x1C800] =	vst v63  }
0x19: {  	s28 =	simm.s32 $0x2;
	s22 =	simm.s32 $0x1;
	s0 =	smul.u32 $0x3, s0  }
0x1a: {  	[tilespmem:s16], [sflag:$0x3] =	stream.indirect.gather [hbm4b:s1+s24], $0x80, s15, s24, $0xb8;
	[tilespmem:$0x1C800] =	vst v63  }
0x1b: {  	s23 =	sshrl.u32 @!p0 s23, $0x9;
	s0 =	ssub.s32 $0x0, s0;
	_ =	swait.ge [sflag:s17], $0x2000  }
0x1c: {  	s23 =	smul.u32 @!p0 $0x3, s23;
	s0 =	sand.u32 $0xFF, s0;
	[sflag:s17] =	ssyncset.done $0x0  }
0x1d: {  	s26 =	smul.u32 $0xAB, s22;
	s25 =	sadd.s32 $0x1, s0;
	[sflag:s17] =	ssyncadd.s32 $0xFFFFE000  }
0x1e: {  	s29 =	sshll.u32 s0, $0xE;
	s23 =	ssub.s32 @!p0 $0xFFFFFFFE, s23;
	[bflag:$0x0] =	sbarrier.arrive $0xFFFF  }
0x1f: {  	s0 =	sor.u32 $0x4, s0;
	s23 =	sand.u32 @!p0 $0xFF, s23;
	_ =	swait.ge [sflag:s25], $0x4000  }
0x20: {  	s4 =	sor.u32 $0x800, s29;
	s30 =	sor.u32 @!p0 $0x4, s23;
	[sflag:s25] =	ssyncset.done $0x0  }
0x21: {  	s29 =	sadd.s32 @!p0 $0x1, s23;
	[sflag:s25] =	ssyncadd.s32 $0xFFFFC000;
	s25 =	sadd.s32 $0x800, s10  }
0x22: {  	[hbm4b:s10+s3] =	stream.linear.scatter [tilespmem:s4], [sflag:s0], $0x4000, $0x38;
	[tilespmem:$0x1C800] =	vst v63  }
0x23: {  	s0 =	sshll.u32 @!p0 s23, $0xE;
	s23 =	simm.s32 $0x100;
	_ =	swait.ge @!p0 [sflag:s30], $0x4000  }
0x24: {  	s31 =	sor.u32 @!p0 $0x800, s0;
	s0 =	simm.s32 @!p0 $0x80;
	[sflag:s30] =	ssyncset.done @!p0 $0x0  }
.LBB2_2:
0x25: {  	s4 =	smul.u32 $0xAB, s28  }
0x26: {  	[sflag:s30] =	ssyncadd.s32 @!p0 $0xFFFFC000;
	s30 =	smov.u32 s28;
	s28 =	sadd.s32 $0x1, s28  }
0x27: {  	[tilespmem:s31], [sflag:s29] =	stream.indirect.gather @!p0 [spmem:s2], $0x80, s24, s0, $0xb8;
	[tilespmem:$0x1C800] =	vst v63  }
0x28: {  	p1 =	sne.s32 s28, $0xF;
	s0 =	sshrl.u32 s26, $0x9;
	p0 =	slt.u32 s22, $0x2  }
0x29: {  	s0 =	sand.u32 $0x7F, s0;
	s29 =	sadd.s32 @!p0 $0xFFFFFFFE, s22;
	s26 =	smov.u32 s4  }
0x2a: {  	s24 =	smov.u32 s23;
	s0 =	smul.u32 $0x3, s0;
	s4 =	sand.u32 @!p0 $0xFF, s29  }
0x2b: {  	s4 =	smul.u32 @!p0 $0xAB, s4  }
0x2c: {  	s0 =	ssub.s32 s22, s0;
	s22 =	smov.u32 s30  }
0x2d: {  	s0 =	sand.u32 $0xFF, s0;
	s4 =	sshrl.u32 @!p0 s4, $0x9  }
0x2e: {  	s30 =	sadd.s32 $0x1, s0;
	s31 =	sshll.u32 s0, $0xE;
	s4 =	smul.u32 @!p0 $0x3, s4  }
0x2f: {  	s0 =	sor.u32 $0x4, s0;
	_ =	swait.ge [sflag:s30], $0x4000  }
0x30: {  	s4 =	ssub.s32 @!p0 s29, s4;
	s29 =	sor.u32 $0x800, s31;
	[sflag:s30] =	ssyncset.done $0x0  }
.Ltmp0:
0x31: {  	s4 =	sand.u32 @!p0 $0xFF, s4;
	[sflag:s30] =	ssyncadd.s32 $0xFFFFC000;
	(pc) =	sbr.rel @p1 .LBB2_2-.Ltmp0, $4  }
0x32: {  	[hbm4b:s25+s3] =	stream.linear.scatter [tilespmem:s29], [sflag:s0], $0x4000, $0x38;
	[tilespmem:$0x1C800] =	vst v63  }
0x33: {  	s30 =	sor.u32 @!p0 $0x4, s4;
	s0 =	sshll.u32 @!p0 s4, $0xE;
	s29 =	sadd.s32 @!p0 $0x1, s4  }
0x34: {  	s25 =	sadd.s32 $0x800, s25;
	s31 =	sor.u32 @!p0 $0x800, s0;
	_ =	swait.ge @!p0 [sflag:s30], $0x4000  }
0x35: {  	s23 =	sadd.s32 $0x80, s23;
	s0 =	simm.s32 @!p0 $0x80;
	[sflag:s30] =	ssyncset.done @!p0 $0x0  }
0x36: {  	[sflag:s30] =	ssyncadd.s32 @!p0 $0xFFFFC000  }
0x37: {  	[tilespmem:s31], [sflag:s29] =	stream.indirect.gather @!p0 [spmem:s2], $0x80, s24, s0, $0xb8;
	[tilespmem:$0x1C800] =	vst v63  }
0x38: {  	s28 =	sshrl.u32 s26, $0x9;
	p0 =	slt.u32 s22, $0x2  }
0x39: {  	s0 =	sand.u32 $0x7F, s28;
	s4 =	sadd.s32 @!p0 $0xFFFFFFFE, s22  }
0x3a: {  	s0 =	smul.u32 $0x3, s0;
	s24 =	sand.u32 @!p0 $0xFF, s4  }
0x3b: {  	s24 =	smul.u32 @!p0 $0xAB, s24  }
0x3c: {  	s0 =	ssub.s32 s22, s0  }
0x3d: {  	s0 =	sand.u32 $0xFF, s0;
	s22 =	sshrl.u32 @!p0 s24, $0x9  }
0x3e: {  	s29 =	sadd.s32 $0x1, s0;
	s22 =	smul.u32 @!p0 $0x3, s22  }
0x3f: {  	s30 =	sshll.u32 s0, $0xE;
	_ =	swait.ge [sflag:s29], $0x4000  }
0x40: {  	s0 =	sor.u32 $0x4, s0;
	[sflag:s29] =	ssyncset.done $0x0;
	s4 =	ssub.s32 @!p0 s4, s22  }
0x41: {  	s31 =	sor.u32 $0x800, s30;
	[sflag:s29] =	ssyncadd.s32 $0xFFFFC000;
	s4 =	sand.u32 @!p0 $0xFF, s4  }
0x42: {  	[hbm4b:s25+s3] =	stream.linear.scatter [tilespmem:s31], [sflag:s0], $0x4000, $0x38;
	[tilespmem:$0x1C800] =	vst v63  }
0x43: {  	s0 =	sor.u32 @!p0 $0x4, s4  }
0x44: {  	_ =	swait.ge @!p0 [sflag:s0], $0x4000  }
0x45: {  	s24 =	simm.s32 @!p0 $0x80;
	s22 =	sshll.u32 @!p0 s4, $0xE;
	[sflag:s0] =	ssyncset.done @!p0 $0x0  }
0x46: {  	s4 =	sadd.s32 @!p0 $0x1, s4;
	s22 =	sor.u32 @!p0 $0x800, s22;
	[sflag:s0] =	ssyncadd.s32 @!p0 $0xFFFFC000  }
0x47: {  	[tilespmem:s22], [sflag:s4] =	stream.indirect.gather @!p0 [spmem:s2], $0x80, s23, s24, $0xb8;
	[tilespmem:$0x1C800] =	vst v63  }
0x48: {  	_ =	swait.ge [sflag:s18], $0x4000  }
0x49: {  	[sflag:s18] =	ssyncset.done $0x0  }
0x4a: {  	[sflag:s18] =	ssyncadd.s32 $0xFFFFC000  }
0x4b: {  	[hbm4b:s8+s3] =	stream.linear.scatter [tilespmem:s13], [sflag:$0x4], $0x4000, $0x38;
	[tilespmem:$0x1C800] =	vst v63  }
0x4c: {  	_ =	swait.ge [sflag:s19], $0x4000  }
0x4d: {  	[sflag:s19] =	ssyncset.done $0x0  }
0x4e: {  	s21 =	sadd.s32 $0x1, s21;
	[sflag:s19] =	ssyncadd.s32 $0xFFFFC000  }
0x4f: {  	p0 =	sne.s32 s21, s9;
	_ =	swait.ge [sflag:s20], $0x4000  }
.Ltmp1:
0x50: {  	[sflag:s20] =	ssyncset.done $0x0;
	(pc) =	sbr.rel @p0 .LBB2_1-.Ltmp1, $4  }
0x51: {  	[sflag:s20] =	ssyncadd.s32 $0xFFFFC000  }
0x52: {  	_ =	swait.ge [sflag:s17], $0x4000  }
0x53: {  	[sflag:s17] =	ssyncset.done $0x0  }
0x54: {  	[sflag:s17] =	ssyncadd.s32 $0xFFFFC000  }
0x55: {  	_ =	sfence.sel $0x180000  }
0x56: {  	[bflag:$0x0] =	sbarrier.arrive $0xFFFF  }
0x57: {  	_ =	strace $0x90000047  }
0x58: {  	s0 =	stileid.u32;
	[bflag:$0x2] =	sbarrier.arrive $0xFFFF  }
0x59: {  	p0 =	sne.s32 s0, $0x0;
	s0 =	rddreg [dreg:$0x4]  }
0x5a: {  	s0 =	sadd.s32 @!p0 $0x100000, s0  }
0x5b: {  	[sflag:s0] =	ssyncadd.tile.s32 @!p0 $0x1;
	_ =	shalt  }
.Lfunc_end2:
_tile_overlayer_lowered:
.L_overlay_start_2:
0x5c: {  	(tag) =	ssettag $0x2  }
0x5d: {  	s0 =	rddreg [dreg:$0x0];
	s2 =	stileid.u32  }
0x5e: {  	s1 =	rddreg [dreg:$0x1];
	p0 =	sne.s32 s2, $0x0  }
0x5f: {  	s3 =	rddreg [dreg:$0x2];
	[bflag:$0x3] =	sbarrier.arrive $0xFFFF;
	s2 =	simm.s32 @!p0 $0x1C07  }
0x60: {  	[timem:s3], [sflag:s2] =	dma.local @!p0 [hbm:s0], s1  }
0x61: {  	s0 =	simm.s32 @!p0 $0x7  }
0x62: {  	_ =	swait.ge @!p0 [sflag:s0], s1  }
0x63: {  	s1 =	ssub.s32 @!p0 $0x0, s1;
	[sflag:s0] =	ssyncset.done @!p0 $0x0  }
0x64: {  	[sflag:s0] =	ssyncadd.s32 @!p0 s1  }
0x65: {  	[bflag:$0x3] =	sbarrier.arrive $0xFFFF  }
0x66: {  	_ =	shalt  }

</sc_bundles>
